<compile_context>
chip_gen: v7x
topology: tpu7x:2x2x1
jax: 0.10.2.dev20260603
libtpu: 0.0.44.dev20260713+nightly
codegen_flags: <defaults>
</compile_context>

<pallas_src>
import functools

import jax
import jax.numpy as jnp
from jax import lax
from jax.experimental import pallas as pl
from jax.experimental.pallas import tpu as pltpu
from jax.experimental.pallas import tpu_sc as plsc

_RATIO = 0.5

_NC = 2
_NS = 16
_NW = _NC * _NS
_L = 16


def _sampled_indices(batch_size, num_points, sample_num):
    base = jax.random.key(42)
    idx_list = []
    for b in range(batch_size):
        perm = jax.random.permutation(jax.random.fold_in(base, b), num_points)
        idx_list.append(perm[:sample_num])
    return jnp.stack(idx_list, axis=0)


@functools.partial(jax.jit, static_argnames=("n", "s", "cf", "cx", "b"))
def _gather_planes(feat_t, xyz_t, idx, *, n, s, cf, cx, b):
    wpb = _NW // b
    fpw = cf // wpb
    ch = s // 4
    nchunk = s // ch
    mesh = plsc.VectorSubcoreMesh(
        core_axis_name="c", subcore_axis_name="s",
        num_cores=_NC, num_subcores=_NS)

    @functools.partial(
        pl.kernel,
        out_type=(
            jax.ShapeDtypeStruct((b * cf, s), jnp.float32),
            jax.ShapeDtypeStruct((cx * b, s), jnp.float32),
        ),
        mesh=mesh,
        scratch_types=[
            pltpu.VMEM((s,), jnp.int32),
            pltpu.VMEM((n,), jnp.float32),
            pltpu.VMEM((2, ch), jnp.float32),
            pltpu.SemaphoreType.DMA((2,)),
        ],
        compiler_params=pltpu.CompilerParams(needs_layout_passes=False),
    )
    def k(feat_hbm, xyz_hbm, idx_hbm, out_f_hbm, out_x_hbm,
          idx_v, plane, obuf, osem):
        wid = lax.axis_index("s") * _NC + lax.axis_index("c")
        bid = wid // wpb
        blk = wid % wpb

        pltpu.sync_copy(idx_hbm.at[bid], idx_v)

        def wait_out(slot):
            pltpu.make_async_copy(obuf.at[slot],
                                  out_f_hbm.at[0, pl.ds(0, ch)],
                                  osem.at[slot]).wait()

        def gather_chunk(j, slot):
            base = j * ch

            def body(v, _):
                off = base + v * _L
                iv = idx_v[pl.ds(off, _L)]
                obuf[slot, pl.ds(v * _L, _L)] = plsc.load_gather(plane, [iv])
                return 0

            lax.fori_loop(0, ch // _L, body, 0, unroll=4)

        def do_plane(src_hbm, p, out_hbm, g):
            pltpu.sync_copy(src_hbm.at[p], plane)

            def chunk_body(j, g):
                slot = g % 2

                @pl.when(g >= 2)
                def _():
                    wait_out(slot)

                gather_chunk(j, slot)
                pltpu.async_copy(obuf.at[slot],
                                 out_hbm.at[p, pl.ds(j * ch, ch)],
                                 osem.at[slot])
                return g + 1

            return lax.fori_loop(0, nchunk, chunk_body, g)

        def feat_body(kk, g):
            p = bid * cf + blk * fpw + kk
            return do_plane(feat_hbm, p, out_f_hbm, g)

        g = lax.fori_loop(0, fpw, feat_body, 0)

        def xyz_plane(g):
            q = blk * b + bid
            return do_plane(xyz_hbm, q, out_x_hbm, g)

        g = lax.cond(blk < cx, xyz_plane, lambda g: g, g)

        wait_out(g % 2)
        wait_out((g + 1) % 2)

    return k(feat_t, xyz_t, idx)


def kernel(xyz, features):
    b, n, _ = xyz.shape
    s = max(1, int(n * _RATIO))
    cf = features.shape[-1]
    cx = xyz.shape[-1]

    sample_idx = _sampled_indices(b, n, s)

    feat_t = jnp.transpose(features, (0, 2, 1)).reshape(b * cf, n)
    xyz_t = jnp.transpose(xyz, (2, 0, 1)).reshape(cx * b, n)

    out_f, out_x = _gather_planes(feat_t, xyz_t, sample_idx,
                                  n=n, s=s, cf=cf, cx=cx, b=b)

    new_features = out_f.reshape(b, cf, s).transpose(0, 2, 1)
    new_xyz = out_x.reshape(cx, b, s).transpose(1, 2, 0)
    return (new_xyz, new_features, sample_idx)

# --- scband reference (transcript-rebuilt; emitter-appended) ---
"""Pipeline reference for scband-random-sampling-11003706212686 (READ-ONLY COPY).

The authoritative reference and input builder live on the scoring server;
editing this copy changes nothing except your own understanding.
"""

import jax, jax.numpy as jnp
import numpy as np

RATIO = 0.5


def setup_inputs(seed: int = 0) -> dict:
    key = jax.random.key(seed)
    k1, k2 = jax.random.split(key)
    xyz = jax.random.normal(k1, (8, 65536, 3), dtype=jnp.float32)
    features = jax.random.normal(k2, (8, 65536, 64), dtype=jnp.float32)
    return {"xyz": xyz, "features": features}


def _sample_indices(batch_size, num_points, sample_num):
    # Deterministic stand-in for torch.randperm per batch element
    base = jax.random.key(42)
    idx_list = []
    for b in range(batch_size):
        perm = jax.random.permutation(jax.random.fold_in(base, b), num_points)
        idx_list.append(perm[:sample_num])
    return jnp.stack(idx_list, axis=0)  # [B, S] int


def reference(xyz, features):
    batch_size, num_points, _ = xyz.shape
    sample_num = max(1, int(num_points * RATIO))
    sample_idx = _sample_indices(batch_size, num_points, sample_num)  # [B, S]
    # Gather coordinates and features along the point dimension
    new_xyz = jnp.take_along_axis(xyz, sample_idx[..., None], axis=1)          # [B, S, 3]
    new_features = jnp.take_along_axis(features, sample_idx[..., None], axis=1)  # [B, S, C]
    return (new_xyz, new_features, sample_idx)

if __name__ == "__main__":
    import jax
    _d = setup_inputs()
    print(jax.jit(kernel)(*tuple(_d.values())))

</pallas_src>

<mosaic_0001>
#map = affine_map<(d0, d1) -> (0, 0)>
module attributes {stable_mosaic.version = 14 : i64} {
  func.func @k(%arg0: i32, %arg1: i32, %arg2: memref<512x65536xf32, #tpu.memory_space<hbm>>, %arg3: memref<24x65536xf32, #tpu.memory_space<hbm>>, %arg4: memref<8x32768xi32, #tpu.memory_space<hbm>>, %arg5: memref<512x32768xf32, #tpu.memory_space<hbm>>, %arg6: memref<24x32768xf32, #tpu.memory_space<hbm>>, %arg7: memref<32768xi32, #tpu.memory_space<vmem>>, %arg8: memref<65536xf32, #tpu.memory_space<vmem>>, %arg9: memref<2x8192xf32, #tpu.memory_space<vmem>>, %arg10: memref<2x!tpu.dma_semaphore, #tpu.memory_space<semaphore_mem>>) attributes {dimension_semantics = [#tpu.dimension_semantics<core_parallel>, #tpu.dimension_semantics<subcore_parallel>], iteration_bounds = array<i64: 2, 16>, scalar_prefetch = 0 : i64, scratch_operands = 4 : i64, tpu.core_type = #tpu.core_type<sc_vector_subcore>, window_params = [{transform_indices = #map}, {transform_indices = #map}, {transform_indices = #map}, {transform_indices = #map}, {transform_indices = #map}]} {
    %mul3A = arith.constant 2 : i32
    %mul3A_0 = arith.muli %arg1, %mul3A : i32
    %add3A = arith.addi %mul3A_0, %arg0 : i32
    %jit3A = arith.constant 4 : i32
    %div3A = arith.divsi %add3A, %jit3A : i32
    %sign3A = arith.constant 0 : i32
    %sign3A_1 = arith.cmpi sgt, %add3A, %sign3A : i32
    %sign3A_2 = arith.extui %sign3A_1 : i1 to i32
    %sign3A_3 = arith.constant 0 : i32
    %sign3A_4 = arith.cmpi slt, %add3A, %sign3A_3 : i32
    %sign3A_5 = arith.extui %sign3A_4 : i1 to i32
    %sign3A_6 = arith.subi %sign3A_2, %sign3A_5 : i32
    %sign3A_7 = arith.constant 0 : i32
    %sign3A_8 = arith.cmpi sgt, %jit3A, %sign3A_7 : i32
    %sign3A_9 = arith.extui %sign3A_8 : i1 to i32
    %sign3A_10 = arith.constant 0 : i32
    %sign3A_11 = arith.cmpi slt, %jit3A, %sign3A_10 : i32
    %sign3A_12 = arith.extui %sign3A_11 : i1 to i32
    %sign3A_13 = arith.subi %sign3A_9, %sign3A_12 : i32
    %ne3A = arith.cmpi ne, %sign3A_6, %sign3A_13 : i32
    %rem3A = arith.remsi %add3A, %jit3A : i32
    %ne3A_14 = arith.constant 0 : i32
    %ne3A_15 = arith.cmpi ne, %rem3A, %ne3A_14 : i32
    %and3A = arith.andi %ne3A, %ne3A_15 : i1
    %sub3A = arith.constant 1 : i32
    %sub3A_16 = arith.subi %div3A, %sub3A : i32
    %select_n3A = arith.select %and3A, %sub3A_16, %div3A : i32
    %jit3A_17 = arith.constant 4 : i32
    %eq3A = arith.constant 0 : i32
    %eq3A_18 = arith.cmpi eq, %jit3A_17, %eq3A : i32
    %jit3A_19 = arith.constant 1 : i32
    %select_n3A_20 = arith.select %eq3A_18, %jit3A_19, %jit3A_17 : i32
    %rem3A_21 = arith.remsi %add3A, %select_n3A_20 : i32
    %ne3A_22 = arith.constant 0 : i32
    %ne3A_23 = arith.cmpi ne, %rem3A_21, %ne3A_22 : i32
    %lt3A = arith.constant 0 : i32
    %lt3A_24 = arith.cmpi slt, %rem3A_21, %lt3A : i32
    %lt3A_25 = arith.constant 0 : i32
    %lt3A_26 = arith.cmpi slt, %select_n3A_20, %lt3A_25 : i32
    %ne3A_27 = arith.xori %lt3A_24, %lt3A_26 : i1
    %and3A_28 = arith.andi %ne3A_27, %ne3A_23 : i1
    %add3A_29 = arith.addi %rem3A_21, %select_n3A_20 : i32
    %select_n3A_30 = arith.select %and3A_28, %add3A_29, %rem3A_21 : i32
    "tpu.region"() ({
      %run_scoped3A = tpu.sem_alloc : memref<!tpu.dma_semaphore, #tpu.memory_space<semaphore_mem>>
      %dma_start3A = arith.constant 0 : i32
      %dma_start3A_104 = tpu.memref_slice %arg4[%select_n3A, %dma_start3A] : memref<8x32768xi32, #tpu.memory_space<hbm>> -> memref<1x32768xi32, #tpu.memory_space<hbm>>
      %dma_start3A_105 = tpu.memref_squeeze %dma_start3A_104 : memref<1x32768xi32, #tpu.memory_space<hbm>> -> memref<32768xi32, #tpu.memory_space<hbm>>
      %dma_start3A_106 = arith.constant 0 : i32
      %dma_start3A_107 = tpu.memref_slice %arg4[%select_n3A, %dma_start3A_106] : memref<8x32768xi32, #tpu.memory_space<hbm>> -> memref<1x32768xi32, #tpu.memory_space<hbm>>
      %dma_start3A_108 = tpu.memref_squeeze %dma_start3A_107 : memref<1x32768xi32, #tpu.memory_space<hbm>> -> memref<32768xi32, #tpu.memory_space<hbm>>
      tpu.enqueue_dma source(%dma_start3A_108 : memref<32768xi32, #tpu.memory_space<hbm>>) target(%arg7 : memref<32768xi32, #tpu.memory_space<vmem>>) target_semaphore(%run_scoped3A : memref<!tpu.dma_semaphore, #tpu.memory_space<semaphore_mem>>)
      %dma_wait3A_109 = arith.constant 0 : i32
      %dma_wait3A_110 = tpu.memref_slice %arg4[%select_n3A, %dma_wait3A_109] : memref<8x32768xi32, #tpu.memory_space<hbm>> -> memref<1x32768xi32, #tpu.memory_space<hbm>>
      %dma_wait3A_111 = tpu.memref_squeeze %dma_wait3A_110 : memref<1x32768xi32, #tpu.memory_space<hbm>> -> memref<32768xi32, #tpu.memory_space<hbm>>
      %dma_wait3A_112 = arith.constant 0 : i32
      %dma_wait3A_113 = tpu.memref_slice %arg4[%select_n3A, %dma_wait3A_112] : memref<8x32768xi32, #tpu.memory_space<hbm>> -> memref<1x32768xi32, #tpu.memory_space<hbm>>
      %dma_wait3A_114 = tpu.memref_squeeze %dma_wait3A_113 : memref<1x32768xi32, #tpu.memory_space<hbm>> -> memref<32768xi32, #tpu.memory_space<hbm>>
      tpu.wait_dma2 semaphore(%run_scoped3A : memref<!tpu.dma_semaphore, #tpu.memory_space<semaphore_mem>>) src(%dma_wait3A_114 : memref<32768xi32, #tpu.memory_space<hbm>>) dst(%arg7 : memref<32768xi32, #tpu.memory_space<vmem>>)
      tpu.yield
    }) : () -> ()
    %scan3A = arith.constant 0 : i32
    %scan3A_31 = arith.constant 0 : i32
    %scan3A_32 = arith.constant 16 : i32
    %scan3A_33 = arith.addi %scan3A_31, %scan3A_32 : i32
    %scan3A_34 = arith.constant 1 : i32
    %scan3A_35 = scf.for %scan3A_104 = %scan3A_31 to %scan3A_33 step %scan3A_34 iter_args(%scan3A_105 = %scan3A) -> (i32)  : i32 {
      %mul3A_106 = arith.constant 64 : i32
      %mul3A_107 = arith.muli %select_n3A, %mul3A_106 : i32
      %mul3A_108 = arith.constant 16 : i32
      %mul3A_109 = arith.muli %select_n3A_30, %mul3A_108 : i32
      %add3A_110 = arith.addi %mul3A_107, %mul3A_109 : i32
      %add3A_111 = arith.addi %add3A_110, %scan3A_104 : i32
      "tpu.region"() ({
        %run_scoped3A = tpu.sem_alloc : memref<!tpu.dma_semaphore, #tpu.memory_space<semaphore_mem>>
        %dma_start3A = arith.constant 0 : i32
        %dma_start3A_118 = tpu.memref_slice %arg2[%add3A_111, %dma_start3A] : memref<512x65536xf32, #tpu.memory_space<hbm>> -> memref<1x65536xf32, #tpu.memory_space<hbm>>
        %dma_start3A_119 = tpu.memref_squeeze %dma_start3A_118 : memref<1x65536xf32, #tpu.memory_space<hbm>> -> memref<65536xf32, #tpu.memory_space<hbm>>
        %dma_start3A_120 = arith.constant 0 : i32
        %dma_start3A_121 = tpu.memref_slice %arg2[%add3A_111, %dma_start3A_120] : memref<512x65536xf32, #tpu.memory_space<hbm>> -> memref<1x65536xf32, #tpu.memory_space<hbm>>
        %dma_start3A_122 = tpu.memref_squeeze %dma_start3A_121 : memref<1x65536xf32, #tpu.memory_space<hbm>> -> memref<65536xf32, #tpu.memory_space<hbm>>
        tpu.enqueue_dma source(%dma_start3A_122 : memref<65536xf32, #tpu.memory_space<hbm>>) target(%arg8 : memref<65536xf32, #tpu.memory_space<vmem>>) target_semaphore(%run_scoped3A : memref<!tpu.dma_semaphore, #tpu.memory_space<semaphore_mem>>)
        %dma_wait3A_123 = arith.constant 0 : i32
        %dma_wait3A_124 = tpu.memref_slice %arg2[%add3A_111, %dma_wait3A_123] : memref<512x65536xf32, #tpu.memory_space<hbm>> -> memref<1x65536xf32, #tpu.memory_space<hbm>>
        %dma_wait3A_125 = tpu.memref_squeeze %dma_wait3A_124 : memref<1x65536xf32, #tpu.memory_space<hbm>> -> memref<65536xf32, #tpu.memory_space<hbm>>
        %dma_wait3A_126 = arith.constant 0 : i32
        %dma_wait3A_127 = tpu.memref_slice %arg2[%add3A_111, %dma_wait3A_126] : memref<512x65536xf32, #tpu.memory_space<hbm>> -> memref<1x65536xf32, #tpu.memory_space<hbm>>
        %dma_wait3A_128 = tpu.memref_squeeze %dma_wait3A_127 : memref<1x65536xf32, #tpu.memory_space<hbm>> -> memref<65536xf32, #tpu.memory_space<hbm>>
        tpu.wait_dma2 semaphore(%run_scoped3A : memref<!tpu.dma_semaphore, #tpu.memory_space<semaphore_mem>>) src(%dma_wait3A_128 : memref<65536xf32, #tpu.memory_space<hbm>>) dst(%arg8 : memref<65536xf32, #tpu.memory_space<vmem>>)
        tpu.yield
      }) : () -> ()
      %scan3A_112 = arith.constant 0 : i32
      %scan3A_113 = arith.constant 4 : i32
      %scan3A_114 = arith.addi %scan3A_112, %scan3A_113 : i32
      %scan3A_115 = arith.constant 1 : i32
      %scan3A_116 = scf.for %scan3A_118 = %scan3A_112 to %scan3A_114 step %scan3A_115 iter_args(%scan3A_119 = %scan3A_105) -> (i32)  : i32 {
        %jit3A_120 = arith.constant 2 : i32
        %eq3A_121 = arith.constant 0 : i32
        %eq3A_122 = arith.cmpi eq, %jit3A_120, %eq3A_121 : i32
        %jit3A_123 = arith.constant 1 : i32
        %select_n3A_124 = arith.select %eq3A_122, %jit3A_123, %jit3A_120 : i32
        %rem3A_125 = arith.remsi %scan3A_119, %select_n3A_124 : i32
        %ne3A_126 = arith.constant 0 : i32
        %ne3A_127 = arith.cmpi ne, %rem3A_125, %ne3A_126 : i32
        %lt3A_128 = arith.constant 0 : i32
        %lt3A_129 = arith.cmpi slt, %rem3A_125, %lt3A_128 : i32
        %lt3A_130 = arith.constant 0 : i32
        %lt3A_131 = arith.cmpi slt, %select_n3A_124, %lt3A_130 : i32
        %ne3A_132 = arith.xori %lt3A_129, %lt3A_131 : i1
        %and3A_133 = arith.andi %ne3A_132, %ne3A_127 : i1
        %add3A_134 = arith.addi %rem3A_125, %select_n3A_124 : i32
        %select_n3A_135 = arith.select %and3A_133, %add3A_134, %rem3A_125 : i32
        %ge3A = arith.constant 2 : i32
        %ge3A_136 = arith.cmpi sge, %scan3A_119, %ge3A : i32
        %convert_element_type3A_137 = arith.extui %ge3A_136 : i1 to i32
        %cond3A_138 = arith.constant 0 : i32
        %cond3A_139 = arith.cmpi ne, %convert_element_type3A_137, %cond3A_138 : i32
        scf.if %cond3A_139 {
          %dma_wait3A_164 = arith.constant 0 : i32
          %dma_wait3A_165 = arith.constant 0 : i32
          %dma_wait3A_166 = tpu.memref_slice %arg9[%select_n3A_135, %dma_wait3A_165] : memref<2x8192xf32, #tpu.memory_space<vmem>> -> memref<1x8192xf32, #tpu.memory_space<vmem>>
          %dma_wait3A_167 = tpu.memref_squeeze %dma_wait3A_166 : memref<1x8192xf32, #tpu.memory_space<vmem>> -> memref<8192xf32, #tpu.memory_space<vmem>>
          %dma_wait3A_168 = arith.constant 0 : i32
          %dma_wait3A_169 = tpu.memref_slice %arg5[%dma_wait3A_164, %dma_wait3A_168] : memref<512x32768xf32, #tpu.memory_space<hbm>> -> memref<1x8192xf32, #tpu.memory_space<hbm>>
          %dma_wait3A_170 = tpu.memref_squeeze %dma_wait3A_169 : memref<1x8192xf32, #tpu.memory_space<hbm>> -> memref<8192xf32, #tpu.memory_space<hbm>>
          %dma_wait3A_171 = tpu.memref_slice %arg10[%select_n3A_135] : memref<2x!tpu.dma_semaphore, #tpu.memory_space<semaphore_mem>> -> memref<1x!tpu.dma_semaphore, #tpu.memory_space<semaphore_mem>>
          %dma_wait3A_172 = tpu.memref_squeeze %dma_wait3A_171 : memref<1x!tpu.dma_semaphore, #tpu.memory_space<semaphore_mem>> -> memref<!tpu.dma_semaphore, #tpu.memory_space<semaphore_mem>>
          %dma_wait3A_173 = arith.constant 0 : i32
          %dma_wait3A_174 = tpu.memref_slice %arg5[%dma_wait3A_164, %dma_wait3A_173] : memref<512x32768xf32, #tpu.memory_space<hbm>> -> memref<1x8192xf32, #tpu.memory_space<hbm>>
          %dma_wait3A_175 = tpu.memref_squeeze %dma_wait3A_174 : memref<1x8192xf32, #tpu.memory_space<hbm>> -> memref<8192xf32, #tpu.memory_space<hbm>>
          %dma_wait3A_176 = arith.constant 0 : i32
          %dma_wait3A_177 = tpu.memref_slice %arg9[%select_n3A_135, %dma_wait3A_176] : memref<2x8192xf32, #tpu.memory_space<vmem>> -> memref<1x8192xf32, #tpu.memory_space<vmem>>
          %dma_wait3A_178 = tpu.memref_squeeze %dma_wait3A_177 : memref<1x8192xf32, #tpu.memory_space<vmem>> -> memref<8192xf32, #tpu.memory_space<vmem>>
          tpu.wait_dma2 semaphore(%dma_wait3A_172 : memref<!tpu.dma_semaphore, #tpu.memory_space<semaphore_mem>>) src(%dma_wait3A_178 : memref<8192xf32, #tpu.memory_space<vmem>>) dst(%dma_wait3A_175 : memref<8192xf32, #tpu.memory_space<hbm>>)
        } else {
        }
        %mul3A_140 = arith.constant 8192 : i32
        %mul3A_141 = arith.muli %scan3A_118, %mul3A_140 : i32
        %scan3A_142 = arith.constant 0 : i32
        %scan3A_143 = arith.constant 0 : i32
        %scan3A_144 = arith.constant 512 : i32
        %scan3A_145 = arith.addi %scan3A_143, %scan3A_144 : i32
        %scan3A_146 = arith.constant 4 : i32
        %scan3A_147 = scf.for %scan3A_164 = %scan3A_143 to %scan3A_145 step %scan3A_146 iter_args(%scan3A_165 = %scan3A_142) -> (i32)  : i32 {
          %mul3A_166 = arith.constant 16 : i32
          %mul3A_167 = arith.muli %scan3A_164, %mul3A_166 : i32
          %add3A_168 = arith.addi %mul3A_141, %mul3A_167 : i32
          %get3A = arith.index_cast %add3A_168 : i32 to index
          %get3A_169 = tpu.vector_load %arg7[%get3A] {strides = array<i32>} : memref<32768xi32, #tpu.memory_space<vmem>>, vector<16xi32>,
          %gather3A = tpu.vector_load_idx %arg8[%get3A_169] : memref<65536xf32, #tpu.memory_space<vmem>>[vector<16xi32>], vector<16xf32>,
          %mul3A_170 = arith.constant 16 : i32
          %mul3A_171 = arith.muli %scan3A_164, %mul3A_170 : i32
          %swap3A = arith.index_cast %select_n3A_135 : i32 to index
          %swap3A_172 = arith.index_cast %mul3A_171 : i32 to index
          %swap3A_173 = tpu.vector_load %arg9[%swap3A, %swap3A_172] {strides = array<i32>} : memref<2x8192xf32, #tpu.memory_space<vmem>>, vector<16xf32>,
          tpu.vector_store %arg9[%swap3A, %swap3A_172], %gather3A {strides = array<i32>} : memref<2x8192xf32, #tpu.memory_space<vmem>>, vector<16xf32>,
          %scan3A_174 = arith.constant 0 : i32
          %scan3A_175 = arith.constant 1 : i32
          %scan3A_176 = arith.addi %scan3A_164, %scan3A_175 : i32
          %mul3A_177 = arith.constant 16 : i32
          %mul3A_178 = arith.muli %scan3A_176, %mul3A_177 : i32
          %add3A_179 = arith.addi %mul3A_141, %mul3A_178 : i32
          %get3A_180 = arith.index_cast %add3A_179 : i32 to index
          %get3A_181 = tpu.vector_load %arg7[%get3A_180] {strides = array<i32>} : memref<32768xi32, #tpu.memory_space<vmem>>, vector<16xi32>,
          %gather3A_182 = tpu.vector_load_idx %arg8[%get3A_181] : memref<65536xf32, #tpu.memory_space<vmem>>[vector<16xi32>], vector<16xf32>,
          %mul3A_183 = arith.constant 16 : i32
          %mul3A_184 = arith.muli %scan3A_176, %mul3A_183 : i32
          %swap3A_185 = arith.index_cast %select_n3A_135 : i32 to index
          %swap3A_186 = arith.index_cast %mul3A_184 : i32 to index
          %swap3A_187 = tpu.vector_load %arg9[%swap3A_185, %swap3A_186] {strides = array<i32>} : memref<2x8192xf32, #tpu.memory_space<vmem>>, vector<16xf32>,
          tpu.vector_store %arg9[%swap3A_185, %swap3A_186], %gather3A_182 {strides = array<i32>} : memref<2x8192xf32, #tpu.memory_space<vmem>>, vector<16xf32>,
          %scan3A_188 = arith.constant 0 : i32
          %scan3A_189 = arith.constant 2 : i32
          %scan3A_190 = arith.addi %scan3A_164, %scan3A_189 : i32
          %mul3A_191 = arith.constant 16 : i32
          %mul3A_192 = arith.muli %scan3A_190, %mul3A_191 : i32
          %add3A_193 = arith.addi %mul3A_141, %mul3A_192 : i32
          %get3A_194 = arith.index_cast %add3A_193 : i32 to index
          %get3A_195 = tpu.vector_load %arg7[%get3A_194] {strides = array<i32>} : memref<32768xi32, #tpu.memory_space<vmem>>, vector<16xi32>,
          %gather3A_196 = tpu.vector_load_idx %arg8[%get3A_195] : memref<65536xf32, #tpu.memory_space<vmem>>[vector<16xi32>], vector<16xf32>,
          %mul3A_197 = arith.constant 16 : i32
          %mul3A_198 = arith.muli %scan3A_190, %mul3A_197 : i32
          %swap3A_199 = arith.index_cast %select_n3A_135 : i32 to index
          %swap3A_200 = arith.index_cast %mul3A_198 : i32 to index
          %swap3A_201 = tpu.vector_load %arg9[%swap3A_199, %swap3A_200] {strides = array<i32>} : memref<2x8192xf32, #tpu.memory_space<vmem>>, vector<16xf32>,
          tpu.vector_store %arg9[%swap3A_199, %swap3A_200], %gather3A_196 {strides = array<i32>} : memref<2x8192xf32, #tpu.memory_space<vmem>>, vector<16xf32>,
          %scan3A_202 = arith.constant 0 : i32
          %scan3A_203 = arith.constant 3 : i32
          %scan3A_204 = arith.addi %scan3A_164, %scan3A_203 : i32
          %mul3A_205 = arith.constant 16 : i32
          %mul3A_206 = arith.muli %scan3A_204, %mul3A_205 : i32
          %add3A_207 = arith.addi %mul3A_141, %mul3A_206 : i32
          %get3A_208 = arith.index_cast %add3A_207 : i32 to index
          %get3A_209 = tpu.vector_load %arg7[%get3A_208] {strides = array<i32>} : memref<32768xi32, #tpu.memory_space<vmem>>, vector<16xi32>,
          %gather3A_210 = tpu.vector_load_idx %arg8[%get3A_209] : memref<65536xf32, #tpu.memory_space<vmem>>[vector<16xi32>], vector<16xf32>,
          %mul3A_211 = arith.constant 16 : i32
          %mul3A_212 = arith.muli %scan3A_204, %mul3A_211 : i32
          %swap3A_213 = arith.index_cast %select_n3A_135 : i32 to index
          %swap3A_214 = arith.index_cast %mul3A_212 : i32 to index
          %swap3A_215 = tpu.vector_load %arg9[%swap3A_213, %swap3A_214] {strides = array<i32>} : memref<2x8192xf32, #tpu.memory_space<vmem>>, vector<16xf32>,
          tpu.vector_store %arg9[%swap3A_213, %swap3A_214], %gather3A_210 {strides = array<i32>} : memref<2x8192xf32, #tpu.memory_space<vmem>>, vector<16xf32>,
          %scan3A_216 = arith.constant 0 : i32
          scf.yield %scan3A_216 : i32
        }
        %scan3A_148 = arith.constant 512 : i32
        %mul3A_149 = arith.constant 8192 : i32
        %mul3A_150 = arith.muli %scan3A_118, %mul3A_149 : i32
        %dma_start3A = arith.constant 0 : i32
        %dma_start3A_151 = tpu.memref_slice %arg9[%select_n3A_135, %dma_start3A] : memref<2x8192xf32, #tpu.memory_space<vmem>> -> memref<1x8192xf32, #tpu.memory_space<vmem>>
        %dma_start3A_152 = tpu.memref_squeeze %dma_start3A_151 : memref<1x8192xf32, #tpu.memory_space<vmem>> -> memref<8192xf32, #tpu.memory_space<vmem>>
        %dma_start3A_153 = tpu.memref_slice %arg5[%add3A_111, %mul3A_150] : memref<512x32768xf32, #tpu.memory_space<hbm>> -> memref<1x8192xf32, #tpu.memory_space<hbm>>
        %dma_start3A_154 = tpu.memref_squeeze %dma_start3A_153 : memref<1x8192xf32, #tpu.memory_space<hbm>> -> memref<8192xf32, #tpu.memory_space<hbm>>
        %dma_start3A_155 = tpu.memref_slice %arg10[%select_n3A_135] : memref<2x!tpu.dma_semaphore, #tpu.memory_space<semaphore_mem>> -> memref<1x!tpu.dma_semaphore, #tpu.memory_space<semaphore_mem>>
        %dma_start3A_156 = tpu.memref_squeeze %dma_start3A_155 : memref<1x!tpu.dma_semaphore, #tpu.memory_space<semaphore_mem>> -> memref<!tpu.dma_semaphore, #tpu.memory_space<semaphore_mem>>
        %dma_start3A_157 = tpu.memref_slice %arg5[%add3A_111, %mul3A_150] : memref<512x32768xf32, #tpu.memory_space<hbm>> -> memref<1x8192xf32, #tpu.memory_space<hbm>>
        %dma_start3A_158 = tpu.memref_squeeze %dma_start3A_157 : memref<1x8192xf32, #tpu.memory_space<hbm>> -> memref<8192xf32, #tpu.memory_space<hbm>>
        %dma_start3A_159 = arith.constant 0 : i32
        %dma_start3A_160 = tpu.memref_slice %arg9[%select_n3A_135, %dma_start3A_159] : memref<2x8192xf32, #tpu.memory_space<vmem>> -> memref<1x8192xf32, #tpu.memory_space<vmem>>
        %dma_start3A_161 = tpu.memref_squeeze %dma_start3A_160 : memref<1x8192xf32, #tpu.memory_space<vmem>> -> memref<8192xf32, #tpu.memory_space<vmem>>
        tpu.enqueue_dma source(%dma_start3A_161 : memref<8192xf32, #tpu.memory_space<vmem>>) target(%dma_start3A_158 : memref<8192xf32, #tpu.memory_space<hbm>>) target_semaphore(%dma_start3A_156 : memref<!tpu.dma_semaphore, #tpu.memory_space<semaphore_mem>>)
        %add3A_162 = arith.constant 1 : i32
        %add3A_163 = arith.addi %scan3A_119, %add3A_162 : i32
        scf.yield %add3A_163 : i32
      }
      %scan3A_117 = arith.constant 4 : i32
      scf.yield %scan3A_116 : i32
    }
    %scan3A_36 = arith.constant 16 : i32
    %lt3A_37 = arith.constant 3 : i32
    %lt3A_38 = arith.cmpi slt, %select_n3A_30, %lt3A_37 : i32
    %convert_element_type3A = arith.extui %lt3A_38 : i1 to i32
    %cond3A = arith.constant 0 : i32
    %cond3A_39 = arith.cmpi ne, %convert_element_type3A, %cond3A : i32
    %cond3A_40 = scf.if %cond3A_39 -> (i32) {
      %mul3A_104 = arith.constant 8 : i32
      %mul3A_105 = arith.muli %select_n3A_30, %mul3A_104 : i32
      %add3A_106 = arith.addi %mul3A_105, %select_n3A : i32
      "tpu.region"() ({
        %run_scoped3A = tpu.sem_alloc : memref<!tpu.dma_semaphore, #tpu.memory_space<semaphore_mem>>
        %dma_start3A = arith.constant 0 : i32
        %dma_start3A_113 = tpu.memref_slice %arg3[%add3A_106, %dma_start3A] : memref<24x65536xf32, #tpu.memory_space<hbm>> -> memref<1x65536xf32, #tpu.memory_space<hbm>>
        %dma_start3A_114 = tpu.memref_squeeze %dma_start3A_113 : memref<1x65536xf32, #tpu.memory_space<hbm>> -> memref<65536xf32, #tpu.memory_space<hbm>>
        %dma_start3A_115 = arith.constant 0 : i32
        %dma_start3A_116 = tpu.memref_slice %arg3[%add3A_106, %dma_start3A_115] : memref<24x65536xf32, #tpu.memory_space<hbm>> -> memref<1x65536xf32, #tpu.memory_space<hbm>>
        %dma_start3A_117 = tpu.memref_squeeze %dma_start3A_116 : memref<1x65536xf32, #tpu.memory_space<hbm>> -> memref<65536xf32, #tpu.memory_space<hbm>>
        tpu.enqueue_dma source(%dma_start3A_117 : memref<65536xf32, #tpu.memory_space<hbm>>) target(%arg8 : memref<65536xf32, #tpu.memory_space<vmem>>) target_semaphore(%run_scoped3A : memref<!tpu.dma_semaphore, #tpu.memory_space<semaphore_mem>>)
        %dma_wait3A_118 = arith.constant 0 : i32
        %dma_wait3A_119 = tpu.memref_slice %arg3[%add3A_106, %dma_wait3A_118] : memref<24x65536xf32, #tpu.memory_space<hbm>> -> memref<1x65536xf32, #tpu.memory_space<hbm>>
        %dma_wait3A_120 = tpu.memref_squeeze %dma_wait3A_119 : memref<1x65536xf32, #tpu.memory_space<hbm>> -> memref<65536xf32, #tpu.memory_space<hbm>>
        %dma_wait3A_121 = arith.constant 0 : i32
        %dma_wait3A_122 = tpu.memref_slice %arg3[%add3A_106, %dma_wait3A_121] : memref<24x65536xf32, #tpu.memory_space<hbm>> -> memref<1x65536xf32, #tpu.memory_space<hbm>>
        %dma_wait3A_123 = tpu.memref_squeeze %dma_wait3A_122 : memref<1x65536xf32, #tpu.memory_space<hbm>> -> memref<65536xf32, #tpu.memory_space<hbm>>
        tpu.wait_dma2 semaphore(%run_scoped3A : memref<!tpu.dma_semaphore, #tpu.memory_space<semaphore_mem>>) src(%dma_wait3A_123 : memref<65536xf32, #tpu.memory_space<hbm>>) dst(%arg8 : memref<65536xf32, #tpu.memory_space<vmem>>)
        tpu.yield
      }) : () -> ()
      %scan3A_107 = arith.constant 0 : i32
      %scan3A_108 = arith.constant 4 : i32
      %scan3A_109 = arith.addi %scan3A_107, %scan3A_108 : i32
      %scan3A_110 = arith.constant 1 : i32
      %scan3A_111 = scf.for %scan3A_113 = %scan3A_107 to %scan3A_109 step %scan3A_110 iter_args(%scan3A_114 = %scan3A_35) -> (i32)  : i32 {
        %jit3A_115 = arith.constant 2 : i32
        %eq3A_116 = arith.constant 0 : i32
        %eq3A_117 = arith.cmpi eq, %jit3A_115, %eq3A_116 : i32
        %jit3A_118 = arith.constant 1 : i32
        %select_n3A_119 = arith.select %eq3A_117, %jit3A_118, %jit3A_115 : i32
        %rem3A_120 = arith.remsi %scan3A_114, %select_n3A_119 : i32
        %ne3A_121 = arith.constant 0 : i32
        %ne3A_122 = arith.cmpi ne, %rem3A_120, %ne3A_121 : i32
        %lt3A_123 = arith.constant 0 : i32
        %lt3A_124 = arith.cmpi slt, %rem3A_120, %lt3A_123 : i32
        %lt3A_125 = arith.constant 0 : i32
        %lt3A_126 = arith.cmpi slt, %select_n3A_119, %lt3A_125 : i32
        %ne3A_127 = arith.xori %lt3A_124, %lt3A_126 : i1
        %and3A_128 = arith.andi %ne3A_127, %ne3A_122 : i1
        %add3A_129 = arith.addi %rem3A_120, %select_n3A_119 : i32
        %select_n3A_130 = arith.select %and3A_128, %add3A_129, %rem3A_120 : i32
        %ge3A = arith.constant 2 : i32
        %ge3A_131 = arith.cmpi sge, %scan3A_114, %ge3A : i32
        %convert_element_type3A_132 = arith.extui %ge3A_131 : i1 to i32
        %cond3A_133 = arith.constant 0 : i32
        %cond3A_134 = arith.cmpi ne, %convert_element_type3A_132, %cond3A_133 : i32
        scf.if %cond3A_134 {
          %dma_wait3A_159 = arith.constant 0 : i32
          %dma_wait3A_160 = arith.constant 0 : i32
          %dma_wait3A_161 = tpu.memref_slice %arg9[%select_n3A_130, %dma_wait3A_160] : memref<2x8192xf32, #tpu.memory_space<vmem>> -> memref<1x8192xf32, #tpu.memory_space<vmem>>
          %dma_wait3A_162 = tpu.memref_squeeze %dma_wait3A_161 : memref<1x8192xf32, #tpu.memory_space<vmem>> -> memref<8192xf32, #tpu.memory_space<vmem>>
          %dma_wait3A_163 = arith.constant 0 : i32
          %dma_wait3A_164 = tpu.memref_slice %arg5[%dma_wait3A_159, %dma_wait3A_163] : memref<512x32768xf32, #tpu.memory_space<hbm>> -> memref<1x8192xf32, #tpu.memory_space<hbm>>
          %dma_wait3A_165 = tpu.memref_squeeze %dma_wait3A_164 : memref<1x8192xf32, #tpu.memory_space<hbm>> -> memref<8192xf32, #tpu.memory_space<hbm>>
          %dma_wait3A_166 = tpu.memref_slice %arg10[%select_n3A_130] : memref<2x!tpu.dma_semaphore, #tpu.memory_space<semaphore_mem>> -> memref<1x!tpu.dma_semaphore, #tpu.memory_space<semaphore_mem>>
          %dma_wait3A_167 = tpu.memref_squeeze %dma_wait3A_166 : memref<1x!tpu.dma_semaphore, #tpu.memory_space<semaphore_mem>> -> memref<!tpu.dma_semaphore, #tpu.memory_space<semaphore_mem>>
          %dma_wait3A_168 = arith.constant 0 : i32
          %dma_wait3A_169 = tpu.memref_slice %arg5[%dma_wait3A_159, %dma_wait3A_168] : memref<512x32768xf32, #tpu.memory_space<hbm>> -> memref<1x8192xf32, #tpu.memory_space<hbm>>
          %dma_wait3A_170 = tpu.memref_squeeze %dma_wait3A_169 : memref<1x8192xf32, #tpu.memory_space<hbm>> -> memref<8192xf32, #tpu.memory_space<hbm>>
          %dma_wait3A_171 = arith.constant 0 : i32
          %dma_wait3A_172 = tpu.memref_slice %arg9[%select_n3A_130, %dma_wait3A_171] : memref<2x8192xf32, #tpu.memory_space<vmem>> -> memref<1x8192xf32, #tpu.memory_space<vmem>>
          %dma_wait3A_173 = tpu.memref_squeeze %dma_wait3A_172 : memref<1x8192xf32, #tpu.memory_space<vmem>> -> memref<8192xf32, #tpu.memory_space<vmem>>
          tpu.wait_dma2 semaphore(%dma_wait3A_167 : memref<!tpu.dma_semaphore, #tpu.memory_space<semaphore_mem>>) src(%dma_wait3A_173 : memref<8192xf32, #tpu.memory_space<vmem>>) dst(%dma_wait3A_170 : memref<8192xf32, #tpu.memory_space<hbm>>)
        } else {
        }
        %mul3A_135 = arith.constant 8192 : i32
        %mul3A_136 = arith.muli %scan3A_113, %mul3A_135 : i32
        %scan3A_137 = arith.constant 0 : i32
        %scan3A_138 = arith.constant 0 : i32
        %scan3A_139 = arith.constant 512 : i32
        %scan3A_140 = arith.addi %scan3A_138, %scan3A_139 : i32
        %scan3A_141 = arith.constant 4 : i32
        %scan3A_142 = scf.for %scan3A_159 = %scan3A_138 to %scan3A_140 step %scan3A_141 iter_args(%scan3A_160 = %scan3A_137) -> (i32)  : i32 {
          %mul3A_161 = arith.constant 16 : i32
          %mul3A_162 = arith.muli %scan3A_159, %mul3A_161 : i32
          %add3A_163 = arith.addi %mul3A_136, %mul3A_162 : i32
          %get3A = arith.index_cast %add3A_163 : i32 to index
          %get3A_164 = tpu.vector_load %arg7[%get3A] {strides = array<i32>} : memref<32768xi32, #tpu.memory_space<vmem>>, vector<16xi32>,
          %gather3A = tpu.vector_load_idx %arg8[%get3A_164] : memref<65536xf32, #tpu.memory_space<vmem>>[vector<16xi32>], vector<16xf32>,
          %mul3A_165 = arith.constant 16 : i32
          %mul3A_166 = arith.muli %scan3A_159, %mul3A_165 : i32
          %swap3A = arith.index_cast %select_n3A_130 : i32 to index
          %swap3A_167 = arith.index_cast %mul3A_166 : i32 to index
          %swap3A_168 = tpu.vector_load %arg9[%swap3A, %swap3A_167] {strides = array<i32>} : memref<2x8192xf32, #tpu.memory_space<vmem>>, vector<16xf32>,
          tpu.vector_store %arg9[%swap3A, %swap3A_167], %gather3A {strides = array<i32>} : memref<2x8192xf32, #tpu.memory_space<vmem>>, vector<16xf32>,
          %scan3A_169 = arith.constant 0 : i32
          %scan3A_170 = arith.constant 1 : i32
          %scan3A_171 = arith.addi %scan3A_159, %scan3A_170 : i32
          %mul3A_172 = arith.constant 16 : i32
          %mul3A_173 = arith.muli %scan3A_171, %mul3A_172 : i32
          %add3A_174 = arith.addi %mul3A_136, %mul3A_173 : i32
          %get3A_175 = arith.index_cast %add3A_174 : i32 to index
          %get3A_176 = tpu.vector_load %arg7[%get3A_175] {strides = array<i32>} : memref<32768xi32, #tpu.memory_space<vmem>>, vector<16xi32>,
          %gather3A_177 = tpu.vector_load_idx %arg8[%get3A_176] : memref<65536xf32, #tpu.memory_space<vmem>>[vector<16xi32>], vector<16xf32>,
          %mul3A_178 = arith.constant 16 : i32
          %mul3A_179 = arith.muli %scan3A_171, %mul3A_178 : i32
          %swap3A_180 = arith.index_cast %select_n3A_130 : i32 to index
          %swap3A_181 = arith.index_cast %mul3A_179 : i32 to index
          %swap3A_182 = tpu.vector_load %arg9[%swap3A_180, %swap3A_181] {strides = array<i32>} : memref<2x8192xf32, #tpu.memory_space<vmem>>, vector<16xf32>,
          tpu.vector_store %arg9[%swap3A_180, %swap3A_181], %gather3A_177 {strides = array<i32>} : memref<2x8192xf32, #tpu.memory_space<vmem>>, vector<16xf32>,
          %scan3A_183 = arith.constant 0 : i32
          %scan3A_184 = arith.constant 2 : i32
          %scan3A_185 = arith.addi %scan3A_159, %scan3A_184 : i32
          %mul3A_186 = arith.constant 16 : i32
          %mul3A_187 = arith.muli %scan3A_185, %mul3A_186 : i32
          %add3A_188 = arith.addi %mul3A_136, %mul3A_187 : i32
          %get3A_189 = arith.index_cast %add3A_188 : i32 to index
          %get3A_190 = tpu.vector_load %arg7[%get3A_189] {strides = array<i32>} : memref<32768xi32, #tpu.memory_space<vmem>>, vector<16xi32>,
          %gather3A_191 = tpu.vector_load_idx %arg8[%get3A_190] : memref<65536xf32, #tpu.memory_space<vmem>>[vector<16xi32>], vector<16xf32>,
          %mul3A_192 = arith.constant 16 : i32
          %mul3A_193 = arith.muli %scan3A_185, %mul3A_192 : i32
          %swap3A_194 = arith.index_cast %select_n3A_130 : i32 to index
          %swap3A_195 = arith.index_cast %mul3A_193 : i32 to index
          %swap3A_196 = tpu.vector_load %arg9[%swap3A_194, %swap3A_195] {strides = array<i32>} : memref<2x8192xf32, #tpu.memory_space<vmem>>, vector<16xf32>,
          tpu.vector_store %arg9[%swap3A_194, %swap3A_195], %gather3A_191 {strides = array<i32>} : memref<2x8192xf32, #tpu.memory_space<vmem>>, vector<16xf32>,
          %scan3A_197 = arith.constant 0 : i32
          %scan3A_198 = arith.constant 3 : i32
          %scan3A_199 = arith.addi %scan3A_159, %scan3A_198 : i32
          %mul3A_200 = arith.constant 16 : i32
          %mul3A_201 = arith.muli %scan3A_199, %mul3A_200 : i32
          %add3A_202 = arith.addi %mul3A_136, %mul3A_201 : i32
          %get3A_203 = arith.index_cast %add3A_202 : i32 to index
          %get3A_204 = tpu.vector_load %arg7[%get3A_203] {strides = array<i32>} : memref<32768xi32, #tpu.memory_space<vmem>>, vector<16xi32>,
          %gather3A_205 = tpu.vector_load_idx %arg8[%get3A_204] : memref<65536xf32, #tpu.memory_space<vmem>>[vector<16xi32>], vector<16xf32>,
          %mul3A_206 = arith.constant 16 : i32
          %mul3A_207 = arith.muli %scan3A_199, %mul3A_206 : i32
          %swap3A_208 = arith.index_cast %select_n3A_130 : i32 to index
          %swap3A_209 = arith.index_cast %mul3A_207 : i32 to index
          %swap3A_210 = tpu.vector_load %arg9[%swap3A_208, %swap3A_209] {strides = array<i32>} : memref<2x8192xf32, #tpu.memory_space<vmem>>, vector<16xf32>,
          tpu.vector_store %arg9[%swap3A_208, %swap3A_209], %gather3A_205 {strides = array<i32>} : memref<2x8192xf32, #tpu.memory_space<vmem>>, vector<16xf32>,
          %scan3A_211 = arith.constant 0 : i32
          scf.yield %scan3A_211 : i32
        }
        %scan3A_143 = arith.constant 512 : i32
        %mul3A_144 = arith.constant 8192 : i32
        %mul3A_145 = arith.muli %scan3A_113, %mul3A_144 : i32
        %dma_start3A = arith.constant 0 : i32
        %dma_start3A_146 = tpu.memref_slice %arg9[%select_n3A_130, %dma_start3A] : memref<2x8192xf32, #tpu.memory_space<vmem>> -> memref<1x8192xf32, #tpu.memory_space<vmem>>
        %dma_start3A_147 = tpu.memref_squeeze %dma_start3A_146 : memref<1x8192xf32, #tpu.memory_space<vmem>> -> memref<8192xf32, #tpu.memory_space<vmem>>
        %dma_start3A_148 = tpu.memref_slice %arg6[%add3A_106, %mul3A_145] : memref<24x32768xf32, #tpu.memory_space<hbm>> -> memref<1x8192xf32, #tpu.memory_space<hbm>>
        %dma_start3A_149 = tpu.memref_squeeze %dma_start3A_148 : memref<1x8192xf32, #tpu.memory_space<hbm>> -> memref<8192xf32, #tpu.memory_space<hbm>>
        %dma_start3A_150 = tpu.memref_slice %arg10[%select_n3A_130] : memref<2x!tpu.dma_semaphore, #tpu.memory_space<semaphore_mem>> -> memref<1x!tpu.dma_semaphore, #tpu.memory_space<semaphore_mem>>
        %dma_start3A_151 = tpu.memref_squeeze %dma_start3A_150 : memref<1x!tpu.dma_semaphore, #tpu.memory_space<semaphore_mem>> -> memref<!tpu.dma_semaphore, #tpu.memory_space<semaphore_mem>>
        %dma_start3A_152 = tpu.memref_slice %arg6[%add3A_106, %mul3A_145] : memref<24x32768xf32, #tpu.memory_space<hbm>> -> memref<1x8192xf32, #tpu.memory_space<hbm>>
        %dma_start3A_153 = tpu.memref_squeeze %dma_start3A_152 : memref<1x8192xf32, #tpu.memory_space<hbm>> -> memref<8192xf32, #tpu.memory_space<hbm>>
        %dma_start3A_154 = arith.constant 0 : i32
        %dma_start3A_155 = tpu.memref_slice %arg9[%select_n3A_130, %dma_start3A_154] : memref<2x8192xf32, #tpu.memory_space<vmem>> -> memref<1x8192xf32, #tpu.memory_space<vmem>>
        %dma_start3A_156 = tpu.memref_squeeze %dma_start3A_155 : memref<1x8192xf32, #tpu.memory_space<vmem>> -> memref<8192xf32, #tpu.memory_space<vmem>>
        tpu.enqueue_dma source(%dma_start3A_156 : memref<8192xf32, #tpu.memory_space<vmem>>) target(%dma_start3A_153 : memref<8192xf32, #tpu.memory_space<hbm>>) target_semaphore(%dma_start3A_151 : memref<!tpu.dma_semaphore, #tpu.memory_space<semaphore_mem>>)
        %add3A_157 = arith.constant 1 : i32
        %add3A_158 = arith.addi %scan3A_114, %add3A_157 : i32
        scf.yield %add3A_158 : i32
      }
      %scan3A_112 = arith.constant 4 : i32
      scf.yield %scan3A_111 : i32
    } else {
      scf.yield %scan3A_35 : i32
    }
    %jit3A_41 = arith.constant 2 : i32
    %eq3A_42 = arith.constant 0 : i32
    %eq3A_43 = arith.cmpi eq, %jit3A_41, %eq3A_42 : i32
    %jit3A_44 = arith.constant 1 : i32
    %select_n3A_45 = arith.select %eq3A_43, %jit3A_44, %jit3A_41 : i32
    %rem3A_46 = arith.remsi %cond3A_40, %select_n3A_45 : i32
    %ne3A_47 = arith.constant 0 : i32
    %ne3A_48 = arith.cmpi ne, %rem3A_46, %ne3A_47 : i32
    %lt3A_49 = arith.constant 0 : i32
    %lt3A_50 = arith.cmpi slt, %rem3A_46, %lt3A_49 : i32
    %lt3A_51 = arith.constant 0 : i32
    %lt3A_52 = arith.cmpi slt, %select_n3A_45, %lt3A_51 : i32
    %ne3A_53 = arith.xori %lt3A_50, %lt3A_52 : i1
    %and3A_54 = arith.andi %ne3A_53, %ne3A_48 : i1
    %add3A_55 = arith.addi %rem3A_46, %select_n3A_45 : i32
    %select_n3A_56 = arith.select %and3A_54, %add3A_55, %rem3A_46 : i32
    %dma_wait3A = arith.constant 0 : i32
    %dma_wait3A_57 = arith.constant 0 : i32
    %dma_wait3A_58 = tpu.memref_slice %arg9[%select_n3A_56, %dma_wait3A_57] : memref<2x8192xf32, #tpu.memory_space<vmem>> -> memref<1x8192xf32, #tpu.memory_space<vmem>>
    %dma_wait3A_59 = tpu.memref_squeeze %dma_wait3A_58 : memref<1x8192xf32, #tpu.memory_space<vmem>> -> memref<8192xf32, #tpu.memory_space<vmem>>
    %dma_wait3A_60 = arith.constant 0 : i32
    %dma_wait3A_61 = tpu.memref_slice %arg5[%dma_wait3A, %dma_wait3A_60] : memref<512x32768xf32, #tpu.memory_space<hbm>> -> memref<1x8192xf32, #tpu.memory_space<hbm>>
    %dma_wait3A_62 = tpu.memref_squeeze %dma_wait3A_61 : memref<1x8192xf32, #tpu.memory_space<hbm>> -> memref<8192xf32, #tpu.memory_space<hbm>>
    %dma_wait3A_63 = tpu.memref_slice %arg10[%select_n3A_56] : memref<2x!tpu.dma_semaphore, #tpu.memory_space<semaphore_mem>> -> memref<1x!tpu.dma_semaphore, #tpu.memory_space<semaphore_mem>>
    %dma_wait3A_64 = tpu.memref_squeeze %dma_wait3A_63 : memref<1x!tpu.dma_semaphore, #tpu.memory_space<semaphore_mem>> -> memref<!tpu.dma_semaphore, #tpu.memory_space<semaphore_mem>>
    %dma_wait3A_65 = arith.constant 0 : i32
    %dma_wait3A_66 = tpu.memref_slice %arg5[%dma_wait3A, %dma_wait3A_65] : memref<512x32768xf32, #tpu.memory_space<hbm>> -> memref<1x8192xf32, #tpu.memory_space<hbm>>
    %dma_wait3A_67 = tpu.memref_squeeze %dma_wait3A_66 : memref<1x8192xf32, #tpu.memory_space<hbm>> -> memref<8192xf32, #tpu.memory_space<hbm>>
    %dma_wait3A_68 = arith.constant 0 : i32
    %dma_wait3A_69 = tpu.memref_slice %arg9[%select_n3A_56, %dma_wait3A_68] : memref<2x8192xf32, #tpu.memory_space<vmem>> -> memref<1x8192xf32, #tpu.memory_space<vmem>>
    %dma_wait3A_70 = tpu.memref_squeeze %dma_wait3A_69 : memref<1x8192xf32, #tpu.memory_space<vmem>> -> memref<8192xf32, #tpu.memory_space<vmem>>
    tpu.wait_dma2 semaphore(%dma_wait3A_64 : memref<!tpu.dma_semaphore, #tpu.memory_space<semaphore_mem>>) src(%dma_wait3A_70 : memref<8192xf32, #tpu.memory_space<vmem>>) dst(%dma_wait3A_67 : memref<8192xf32, #tpu.memory_space<hbm>>)
    %add3A_71 = arith.constant 1 : i32
    %add3A_72 = arith.addi %cond3A_40, %add3A_71 : i32
    %jit3A_73 = arith.constant 2 : i32
    %eq3A_74 = arith.constant 0 : i32
    %eq3A_75 = arith.cmpi eq, %jit3A_73, %eq3A_74 : i32
    %jit3A_76 = arith.constant 1 : i32
    %select_n3A_77 = arith.select %eq3A_75, %jit3A_76, %jit3A_73 : i32
    %rem3A_78 = arith.remsi %add3A_72, %select_n3A_77 : i32
    %ne3A_79 = arith.constant 0 : i32
    %ne3A_80 = arith.cmpi ne, %rem3A_78, %ne3A_79 : i32
    %lt3A_81 = arith.constant 0 : i32
    %lt3A_82 = arith.cmpi slt, %rem3A_78, %lt3A_81 : i32
    %lt3A_83 = arith.constant 0 : i32
    %lt3A_84 = arith.cmpi slt, %select_n3A_77, %lt3A_83 : i32
    %ne3A_85 = arith.xori %lt3A_82, %lt3A_84 : i1
    %and3A_86 = arith.andi %ne3A_85, %ne3A_80 : i1
    %add3A_87 = arith.addi %rem3A_78, %select_n3A_77 : i32
    %select_n3A_88 = arith.select %and3A_86, %add3A_87, %rem3A_78 : i32
    %dma_wait3A_89 = arith.constant 0 : i32
    %dma_wait3A_90 = arith.constant 0 : i32
    %dma_wait3A_91 = tpu.memref_slice %arg9[%select_n3A_88, %dma_wait3A_90] : memref<2x8192xf32, #tpu.memory_space<vmem>> -> memref<1x8192xf32, #tpu.memory_space<vmem>>
    %dma_wait3A_92 = tpu.memref_squeeze %dma_wait3A_91 : memref<1x8192xf32, #tpu.memory_space<vmem>> -> memref<8192xf32, #tpu.memory_space<vmem>>
    %dma_wait3A_93 = arith.constant 0 : i32
    %dma_wait3A_94 = tpu.memref_slice %arg5[%dma_wait3A_89, %dma_wait3A_93] : memref<512x32768xf32, #tpu.memory_space<hbm>> -> memref<1x8192xf32, #tpu.memory_space<hbm>>
    %dma_wait3A_95 = tpu.memref_squeeze %dma_wait3A_94 : memref<1x8192xf32, #tpu.memory_space<hbm>> -> memref<8192xf32, #tpu.memory_space<hbm>>
    %dma_wait3A_96 = tpu.memref_slice %arg10[%select_n3A_88] : memref<2x!tpu.dma_semaphore, #tpu.memory_space<semaphore_mem>> -> memref<1x!tpu.dma_semaphore, #tpu.memory_space<semaphore_mem>>
    %dma_wait3A_97 = tpu.memref_squeeze %dma_wait3A_96 : memref<1x!tpu.dma_semaphore, #tpu.memory_space<semaphore_mem>> -> memref<!tpu.dma_semaphore, #tpu.memory_space<semaphore_mem>>
    %dma_wait3A_98 = arith.constant 0 : i32
    %dma_wait3A_99 = tpu.memref_slice %arg5[%dma_wait3A_89, %dma_wait3A_98] : memref<512x32768xf32, #tpu.memory_space<hbm>> -> memref<1x8192xf32, #tpu.memory_space<hbm>>
    %dma_wait3A_100 = tpu.memref_squeeze %dma_wait3A_99 : memref<1x8192xf32, #tpu.memory_space<hbm>> -> memref<8192xf32, #tpu.memory_space<hbm>>
    %dma_wait3A_101 = arith.constant 0 : i32
    %dma_wait3A_102 = tpu.memref_slice %arg9[%select_n3A_88, %dma_wait3A_101] : memref<2x8192xf32, #tpu.memory_space<vmem>> -> memref<1x8192xf32, #tpu.memory_space<vmem>>
    %dma_wait3A_103 = tpu.memref_squeeze %dma_wait3A_102 : memref<1x8192xf32, #tpu.memory_space<vmem>> -> memref<8192xf32, #tpu.memory_space<vmem>>
    tpu.wait_dma2 semaphore(%dma_wait3A_97 : memref<!tpu.dma_semaphore, #tpu.memory_space<semaphore_mem>>) src(%dma_wait3A_103 : memref<8192xf32, #tpu.memory_space<vmem>>) dst(%dma_wait3A_100 : memref<8192xf32, #tpu.memory_space<hbm>>)
    return
  }
}

</mosaic_0001>

<sc_bundles>
// kernel: _gather_planes.3.cloned.1.call-start
scs
__scs_entry_jumppad:
0x0: {  	(pc) =	sbr.rel $0x88, $3  }
0x1: {  	(tag) =	ssettag $0x0;
	lr =	simm.s32 $0x1  }
0x2: {  	[smem:$0x3F9E] =	sst lr;
	_ =	strace $0xD0000000  }
0x3: {  	_ = 	snop  }
0x4: {  	_ = 	snop  }
0x5: {  	_ = 	snop  }
0x6: {  	_ = 	snop  }
0x7: {  	_ = 	snop  }
__scs_overlays_trampoline_lowered:
0x8: {  	[smem:$0x3FAD] =	sst s0  }
0x9: {  	[smem:$0x3FAE] =	sst s1  }
0xa: {  	[smem:$0x3FAF] =	sst s2  }
0xb: {  	[smem:$0x3FB0] =	sst s3  }
0xc: {  	[smem:$0x3FB1] =	sst s4  }
0xd: {  	[smem:$0x3FB2] =	sst s5  }
0xe: {  	[smem:$0x3FB3] =	sst s6  }
0xf: {  	[smem:$0x3FB4] =	sst s7  }
0x10: {  	[smem:$0x3FB5] =	sst s8  }
0x11: {  	[smem:$0x3FB6] =	sst s9;
	s0 =	simm.s32 @!p0 $0x0  }
0x12: {  	s1 =	sld [smem:$0x3F9C];
	s0 =	simm.s32 @p0 $0x1  }
0x13: {  	[smem:$0x3FB7] =	sst s0;
	s0 =	simm.s32 @!p1 $0x0  }
0x14: {  	s2 =	sld [smem:$0x3F9B];
	s0 =	simm.s32 @p1 $0x1  }
0x15: {  	[smem:$0x3FB8] =	sst s0;
	s0 =	simm.s32 @!p2 $0x0  }
0x16: {  	s3 =	sld [smem:$0x3FDB];
	s0 =	simm.s32 @p2 $0x1  }
0x17: {  	s4 =	simm.s32 $0x1BF5;
	[smem:$0x3FBA] =	sst s0  }
0x18: {  	s0 =	sld [smem:$0x3F9D];
	_ =	swait.ge [sflag:s4], $0x0  }
0x19: {  	s7 =	sld [smem:$0x3F9E]  }
0x1a: {  	s8 =	sadd.s32 $0xFFFFE003, lr  }
0x1b: {  	s9 =	sadd.s32 $0xFFFFFEF7, lr;
	s5 =	simm.s32 $0xFFFFFFFF;
	p2 =	slt.u32 s8, $0xFFFFF086  }
0x1c: {  	p1 =	slt.u32 s9, $0xF7A;
	s5 =	simm.s32 @!p2 $0x0  }
0x1d: {  	s5 =	simm.s32 @p1 $0x1;
	p0 =	seq.s32 s7, s2  }
0x1e: {  	s7 =	smul.u32 @!p0 $0xF7A, s2;
	p2 =	seq.s32 @!p0 s5, $0x0  }
0x1f: {  	s9 =	smul.u32 $0xF7A, s1;
	s8 =	simm.s32 @!p0 $0x1BF5;
	p2 =	por !p2, p0  }
0x20: {  	[sflag:s8] =	ssyncset.s32 @!p0 $0xFFFFF086;
	s6 =	sadd.s32 @!p0 s3, s7;
	s7 =	simm.s32 @!p0 $0x108  }
0x21: {  	s3 =	sadd.s32 s3, s9;
	s6 =	sadd.s32 @!p0 $0x88, s6;
	s7 =	simm.s32 @p2 $0x1082  }
0x22: {  	[simem:s7], [sflag:s8] =	dma.local @!p0 [hbm:s6], $0xF7A  }
0x23: {  	s9 =	sor.u32 $0xD0000000, s2;
	s6 =	simm.s32 $0x108;
	_ =	swait.ge @!p0 [sflag:s8], $0x0  }
0x24: {  	s3 =	sadd.s32 $0x88, s3;
	s6 =	simm.s32 @!p1 $0x1082;
	[sflag:s4] =	ssyncset.s32 $0xFFFFF086  }
0x25: {  	[simem:s6], [sflag:s4] =	dma.local [hbm:s3], $0xF7A  }
0x26: {  	[smem:$0x3F9E] =	sst s1;
	(tag) =	ssettag s2;
	_ =	strace s9  }
0x27: {  	s1 =	sld [smem:$0x3FAE]  }
0x28: {  	s2 =	sld [smem:$0x3FAF]  }
0x29: {  	s4 =	sld [smem:$0x3FB1]  }
0x2a: {  	p0 =	seq.s32 s5, $0x0;
	s5 =	sld [smem:$0x3FB2]  }
0x2b: {  	s6 =	sld [smem:$0x3FB3]  }
0x2c: {  	s7 =	sld [smem:$0x3FB4]  }
0x2d: {  	s3 =	simm.s32 $0x108;
	s8 =	sld [smem:$0x3FB5]  }
0x2e: {  	s3 =	simm.s32 @!p0 $0x1082;
	s9 =	sld [smem:$0x3FB6]  }
0x2f: {  	lr =	sadd.s32 s0, s3;
	s0 =	sld [smem:$0x3FAD]  }
0x30: {  	s3 =	sld [smem:$0x3FB0]  }
0x31: {  	[smem:$0x3FB9] =	sst s10  }
0x32: {  	s10 =	sld [smem:$0x3FB7];
	_ =	sdelay $0x3  }
0x33: {  	p0 =	seq.s32 s10, $0x1;
	s10 =	sld [smem:$0x3FB9];
	_ =	sdelay $0x3  }
0x34: {  	[smem:$0x3FB9] =	sst s10  }
0x35: {  	s10 =	sld [smem:$0x3FB8];
	_ =	sdelay $0x3  }
0x36: {  	p1 =	seq.s32 s10, $0x1;
	s10 =	sld [smem:$0x3FB9];
	_ =	sdelay $0x3  }
0x37: {  	[smem:$0x3FB9] =	sst s10  }
0x38: {  	s10 =	sld [smem:$0x3FBA]  }
0x39: {  	_ = 	snop;
	(pc) =	sbr.ind lr, $3  }
0x3a: {  	_ = 	snop  }
0x3b: {  	_ = 	snop  }
0x3c: {  	p2 =	seq.s32 s10, $0x1;
	s10 =	sld [smem:$0x3FB9]  }
0x3d: {  	_ =	shalt  }
0x3e: {  	_ =	shalt  }
0x3f: {  	_ =	shalt  }
0x40: {  	_ =	shalt  }
0x41: {  	_ =	shalt  }
0x42: {  	_ =	shalt  }
0x43: {  	_ =	shalt  }
0x44: {  	_ =	shalt  }
0x45: {  	_ =	shalt  }
0x46: {  	_ =	shalt  }
0x47: {  	_ =	shalt  }
0x48: {  	_ =	shalt  }
0x49: {  	_ =	shalt  }
0x4a: {  	_ =	shalt  }
0x4b: {  	_ =	shalt  }
0x4c: {  	_ =	shalt  }
0x4d: {  	_ =	shalt  }
0x4e: {  	_ =	shalt  }
0x4f: {  	_ =	shalt  }
0x50: {  	_ =	shalt  }
0x51: {  	_ =	shalt  }
0x52: {  	_ =	shalt  }
0x53: {  	_ =	shalt  }
0x54: {  	_ =	shalt  }
0x55: {  	_ =	shalt  }
0x56: {  	_ =	shalt  }
0x57: {  	_ =	shalt  }
0x58: {  	_ =	shalt  }
0x59: {  	_ =	shalt  }
0x5a: {  	_ =	shalt  }
0x5b: {  	_ =	shalt  }
0x5c: {  	_ =	shalt  }
0x5d: {  	_ =	shalt  }
0x5e: {  	_ =	shalt  }
0x5f: {  	_ =	shalt  }
0x60: {  	_ =	shalt  }
0x61: {  	_ =	shalt  }
0x62: {  	_ =	shalt  }
0x63: {  	_ =	shalt  }
0x64: {  	_ =	shalt  }
0x65: {  	_ =	shalt  }
0x66: {  	_ =	shalt  }
0x67: {  	_ =	shalt  }
0x68: {  	_ =	shalt  }
0x69: {  	_ =	shalt  }
0x6a: {  	_ =	shalt  }
0x6b: {  	_ =	shalt  }
0x6c: {  	_ =	shalt  }
0x6d: {  	_ =	shalt  }
0x6e: {  	_ =	shalt  }
0x6f: {  	_ =	shalt  }
0x70: {  	_ =	shalt  }
0x71: {  	_ =	shalt  }
0x72: {  	_ =	shalt  }
0x73: {  	_ =	shalt  }
0x74: {  	_ =	shalt  }
0x75: {  	_ =	shalt  }
0x76: {  	_ =	shalt  }
0x77: {  	_ =	shalt  }
0x78: {  	_ =	shalt  }
0x79: {  	_ =	shalt  }
0x7a: {  	_ =	shalt  }
0x7b: {  	_ =	shalt  }
0x7c: {  	_ =	shalt  }
0x7d: {  	_ =	shalt  }
0x7e: {  	_ =	shalt  }
0x7f: {  	_ =	shalt  }
0x80: {  	_ =	shalt  }
0x81: {  	_ =	shalt  }
0x82: {  	_ =	shalt  }
0x83: {  	_ =	shalt  }
0x84: {  	_ =	shalt  }
0x85: {  	_ =	shalt  }
0x86: {  	_ =	shalt  }
0x87: {  	_ =	shalt  }
.Lfunc_end0:
.L_simem_size_0:
called_computation_lowered:
.L_overlay_start_0:
0x88: {  	s2 =	sld [smem:$0x3FD9]  }
0x89: {  	s3 =	sld [smem:$0x3FFE];
	_ =	sdelay $0x1  }
0x8a: {  	s1 =	srdreg.scid  }
0x8b: {  	s0 =	sand.u32 $0x1, s1  }
0x8c: {  	s15 =	sshll.u32 s0, $0xA;
	s2 =	sadd.s32 s3, s2  }
0x8d: {  	s2 =	sadd.s32 s2, s15  }
0x8e: {  	[smem:$0x3FC5] =	sst s2  }
0x8f: {  	_ = 	snop  }
0x90: {  	s2 =	sld [smem:$0x3FD0]  }
0x91: {  	s16 =	sld [smem:$0x3FC9]  }
0x92: {  	s4 =	sld [smem:$0x3FC8]  }
0x93: {  	s6 =	simm.s32 $0xA;
	s7 =	simm.s32 $0x10;
	s5 =	sld [smem:$0x3FC7]  }
0x94: {  	[smem:s7], [sflag:s6] =	dma.local [hbm:s2], $0x1  }
0x95: {  	_ =	swait.eq [sflag:s6], $0x1  }
0x96: {  	[sflag:s6] =	ssyncset.done $0x0  }
0x97: {  	s17 =	sld [smem:$0x10];
	[sflag:s6] =	ssyncadd.s32 $0xFFFFFFFF  }
0x98: {  	s18 =	sld [smem:$0x11];
	(tm) =	ssettm $0x1  }
0x99: {  	s19 =	sld [smem:$0x3FFB];
	_ =	sdelay $0x3  }
0x9a: {  	_ =	strace s19  }
0x9b: {  	s7 =	sld [smem:$0x3FFC];
	_ =	sdelay $0x3  }
0x9c: {  	_ =	strace s7  }
0x9d: {  	s7 =	sld [smem:$0x3FFD];
	_ =	sdelay $0x3  }
0x9e: {  	_ =	strace s7  }
0x9f: {  	_ =	strace $0x8FFFFFFF  }
0xa0: {  	s20 =	sld [smem:$0x3FDB];
	_ =	sdelay $0x1  }
0xa1: {  	s8 =	simm.s32 $_scs_section_size  }
0xa2: {  	s9 =	simm.s32 $_size__tile_overlayer_lowered;
	s10 =	simm.s32 $_tile_overlayer_lowered  }
0xa3: {  	s23 =	simm.s32 $0x1BFF;
	s22 =	sshll.u32 s10, $0x1;
	s7 =	sadd.s32 s8, s20  }
0xa4: {  	s11 =	simm.s32 $0x0;
	s21 =	sshll.u32 s9, $0x1;
	s9 =	sadd.s32 s22, s7  }
0xa5: {  	[timem:s11], [sflag:s23] =	dma.local [hbm:s9], s21  }
0xa6: {  	_ =	swait.ge [sflag:s23], s21  }
0xa7: {  	s8 =	ssub.s32 $0x0, s21;
	[sflag:s23] =	ssyncset.done $0x0  }
0xa8: {  	[sflag:s23] =	ssyncadd.s32 s8;
	_ =	sdelay $0x1  }
0xa9: {  	s24 =	simm.s32 $0x1B8B  }
0xaa: {  	_ =	swait.ge [sflag:s24], $0x1  }
0xab: {  	[sflag:s24] =	ssyncset.done $0x0  }
0xac: {  	s25 =	simm.s32 $0x1B8E;
	[sflag:s24] =	ssyncadd.s32 $0xFFFFFFFF  }
0xad: {  	s26 =	simm.s32 $execute0_lowered;
	[smem:$0x3FD2] =	sst s25  }
0xae: {  	s8 =	sshll.u32 s26, $0x1;
	_ =	strace $0x80000046;
	[dreg:$0x1] =	wrdreg $0xFFFFFFFF  }
0xaf: {  	s28 =	simm.s32 $_size_execute0_lowered;
	s7 =	sadd.s32 s7, s8;
	[dreg:$0x0] =	wrdreg $0x0  }
0xb0: {  	s8 =	sshll.u32 s28, $0x1;
	[dreg:$0x2] =	wrdreg s7  }
0xb1: {  	[dreg:$0x3] =	wrdreg s8  }
0xb2: {  	[dreg:$0x4] =	wrdreg $0xC0  }
0xb3: {  	_ =	task [dreg:s11], $0x5FFFF  }
0xb4: {  	[dreg:$0x1] =	wrdreg $0xFFFFFFFF  }
0xb5: {  	[dreg:$0x0] =	wrdreg $0x60  }
0xb6: {  	[dreg:$0x2] =	wrdreg s16  }
0xb7: {  	[dreg:$0x3] =	wrdreg s4  }
0xb8: {  	[dreg:$0x4] =	wrdreg s5  }
0xb9: {  	[dreg:$0x5] =	wrdreg s17  }
0xba: {  	[dreg:$0x6] =	wrdreg s18  }
0xbb: {  	[dreg:$0x7] =	wrdreg $0x9  }
0xbc: {  	_ =	task.clear_ibuf [dreg:s11], $0x8FFFF;
	_ =	strace $0x90000046  }
0xbd: {  	s29 =	simm.s32 $0x9;
	_ =	strace $0x80000048  }
0xbe: {  	_ =	swait.ge [sflag:s29], $0x1  }
0xbf: {  	[sflag:s29] =	ssyncadd.s32 $0xFFFFFFFF  }
0xc0: {  	_ =	strace $0x90000048  }
0xc1: {  	_ =	sfence  }
0xc2: {  	s30 =	sld [smem:$0x0];
	_ =	sdelay $0x2  }
0xc3: {  	s31 =	sshll.u32 s1, $0xD;
	s1 =	sshrl.u32 s1, $0x2  }
0xc4: {  	s3 =	sand.u32 $0x4000, s31;
	s1 =	sadd.s32 s1, s30  }
0xc5: {  	s0 =	sor.u32 s3, s0;
	s1 =	sshll.u32 s1, $0x11  }
0xc6: {  	s0 =	sor.u32 s1, s0  }
0xc7: {  	s0 =	sadd.s32 $0x8F2B, s0  }
0xc8: {  	[sflag:s0] =	ssyncadd.remote.s32 $0x1  }
0xc9: {  	_ =	sfence.sel $0xFFFF  }
0xca: {  	[dreg:$0x0] =	wrdreg $0xFFFFFFFF;
	(pc) =	sbr.abs _section_cstart, $3  }
0xcb: {  	[dreg:$0x1] =	wrdreg $0xFFFFFFFF  }
0xcc: {  	_ =	task.clear_ibuf [dreg:s11], $0x2FFFF;
	_ =	strace $0x9FFFFFFF  }
0xcd: {  	(tm) =	ssettm $0x7FFFFFFF  }
tec
execute0_lowered:
.L_overlay_start_1:
0x0: {  	(tag) =	ssettag $0x1  }
0x1: {  	s1 =	rddreg [dreg:$0x0]  }
0x2: {  	s8 =	rddreg [dreg:$0x1]  }
0x3: {  	s6 =	rddreg [dreg:$0x2]  }
0x4: {  	s2 =	rddreg [dreg:$0x3]  }
0x5: {  	s3 =	rddreg [dreg:$0x4]  }
0x6: {  	s5 =	simm.s32 $0x0;
	s7 =	srdreg.scid;
	s4 =	stileid.u32  }
0x7: {  	s14 =	simm.s32 $0x8000;
	[smem:$0x7FF] =	sst s5;
	s7 =	sand.u32 $0x1, s7  }
0x8: {  	s10 =	sshll.u32 s4, $0x1;
	s12 =	sshrl.u32 s4, $0x1;
	_ =	strace $0x80000047  }
0x9: {  	s9 =	ssub.s32 $0x2, s7;
	s10 =	sand.u32 $0x2, s10;
	s24 =	sshll.u32 s12, $0x4  }
0xa: {  	s25 =	sshll.u32 s12, $0x7;
	s28 =	sshll.u32 s12, $0x6;
	s12 =	simm.s32 $0x400  }
0xb: {  	s11 =	sshrl.u32 s9, $0x1;
	s15 =	sor.u32 s7, s10;
	s6 =	sadd.s32 s6, s24  }
.Ltmp0:
0xc: {  	s11 =	ssub.s32 s9, s11;
	s26 =	sshll.u32 s15, $0x13;
	(pc) =	sbr.rel .LBB2_1-.Ltmp0, $4  }
0xd: {  	s29 =	sshll.u32 s15, $0x4;
	s31 =	sshll.u32 s15, $0x12;
	p0 =	seq.s32 s15, $0x3  }
0xe: {  	s15 =	simm.s32 $0x0;
	s13 =	sor.u32 s25, s26;
	s7 =	sor.u32 s28, s29  }
0xf: {  	s9 =	sor.u32 s25, s31;
	s10 =	smax.u32 s11, $0x1;
	s30 =	sshrl.u32 s13, $0x3  }
0x10: {  	s11 =	simm.s32 $0x80;
	s13 =	simm.s32 $0x3;
	s8 =	sadd.s32 s8, s30  }
.LBB2_16:
0x11: {  	s0 =	sand.u32 $0x1, s16  }
0x12: {  	s15 =	sadd.s32 $0x1, s15;
	s16 =	sadd.s32 $0x1, s0  }
0x13: {  	p1 =	sne.s32 s15, s10;
	_ =	swait.ge [sflag:s16], $0x2000  }
.Ltmp1:
0x14: {  	s0 =	sxor.u32 $0x1, s0;
	[sflag:s16] =	ssyncset.done $0x0;
	(pc) =	sbr.rel @!p1 .LBB2_17-.Ltmp1, $4  }
0x15: {  	s0 =	sadd.s32 $0x1, s0;
	[sflag:s16] =	ssyncadd.s32 $0xFFFFE000  }
0x16: {  	_ =	swait.ge [sflag:s0], $0x2000  }
0x17: {  	[sflag:s0] =	ssyncset.done $0x0  }
0x18: {  	[sflag:s0] =	ssyncadd.s32 $0xFFFFE000  }
.LBB2_1:
0x19: {  	[tilespmem:s5], [sflag:$0x3] =	stream.strided.gather [hbm4b:s6+s11], $0x8000, s12, s11, $0x38;
	[tilespmem:$0x1C000] =	vst v63  }
0x1a: {  	_ =	swait.ge [sflag:s13], $0x8000  }
0x1b: {  	[sflag:s13] =	ssyncset.done $0x0  }
0x1c: {  	s16 =	simm.s32 $0x0;
	s17 =	simm.s32 $0x0;
	[sflag:s13] =	ssyncadd.s32 $0xFFFF8000  }
.LBB2_2:
0x1d: {  	s18 =	sadd.s32 s7, s17  }
0x1e: {  	s30 =	sshll.u32 s17, $0x7;
	s19 =	sshrl.u32 s18, $0x3  }
0x1f: {  	s20 =	sand.u32 $0x380, s30;
	s31 =	sshll.u32 s19, $0x13  }
0x20: {  	s18 =	sor.u32 s20, s31  }
0x21: {  	s18 =	sshrl.u32 s18, $0x3  }
0x22: {  	s21 =	sand.u32 $0x1, s16;
	s18 =	sadd.s32 s1, s18  }
0x23: {  	[tilespmem:s14], [sflag:$0x3] =	stream.strided.gather [hbm4b:s18+s11], $0x10000, s12, s11, $0x38;
	[tilespmem:$0x1C000] =	vst v63  }
0x24: {  	p1 =	seq.s32 s21, $0x1;
	_ =	swait.ge [sflag:s13], $0x10000  }
0x25: {  	s21 =	simm.s32 $0x0;
	s19 =	sshll.u32 s19, $0x12;
	[sflag:s13] =	ssyncset.done $0x0  }
0x26: {  	s20 =	sor.u32 s20, s19;
	s18 =	smov.u32 s16;
	[sflag:s13] =	ssyncadd.s32 $0xFFFF0000  }
.LBB2_3:
0x27: {  	s23 =	simm.s32 $0x1;
	s22 =	sand.u32 $0x1, s16  }
0x28: {  	p2 =	slt.s32 s16, $0x2;
	s19 =	smov.u32 s21;
	s26 =	simm.s32 $0x0  }
0x29: {  	s23 =	simm.s32 @!p1 $0x0;
	s24 =	sadd.s32 @!p2 $0x1, s22;
	s31 =	sshll.u32 s19, $0xD  }
0x2a: {  	s25 =	sshll.u32 s22, $0x7;
	s30 =	sshll.u32 s23, $0x7;
	_ =	swait.ge @!p2 [sflag:s24], $0x2000  }
0x2b: {  	s23 =	sand.u32 $0x3FFFE000, s31;
	v0 =	vmov s25;
	s25 =	simm.s32 $0x0;
	[sflag:s24] =	ssyncset.done @!p2 $0x0  }
0x2c: {  	s21 =	sor.u32 $0x18000, s30;
	[sflag:s24] =	ssyncadd.s32 @!p2 $0xFFFFE000;
	s24 =	simm.s32 $0xFFFFFFFC  }
.LBB2_4:
0x2d: {  	s28 =	sand.u32 $0x1F80, s25  }
0x2e: {  	s29 =	sand.u32 $0x40, s25;
	s28 =	sadd.s32 s28, s23  }
0x2f: {  	s30 =	sadd.s32 s29, s28  }
0x30: {  	v1 =	vld [tilespmem:s30+$0x0];
	_ =	sdelay $0x7  }
0x31: {  	v1 =	vld.idx.msk [tilespmem:v1+s14+$0x0], $0xffff;
	_ =	sdelay $0x1  }
0x32: {  	s0 =	sand.u32 $0x3F00, s26  }
0x33: {  	s30 =	sor.u32 $0x18000, s0  }
0x34: {  	s0 =	sor.u32 $0x10, s29;
	s31 =	sor.u32 s29, s30  }
0x35: {  	[tilespmem:v0+s31+$0x0 ss:$0x1] =	vst.idx.msk $0xffff, v1;
	s31 =	sadd.s32 s0, s28  }
0x36: {  	v1 =	vld [tilespmem:s31+$0x0];
	_ =	sdelay $0x7  }
0x37: {  	v1 =	vld.idx.msk [tilespmem:v1+s14+$0x0], $0xffff;
	_ =	sdelay $0x3  }
0x38: {  	s0 =	sor.u32 s0, s30;
	s31 =	sor.u32 $0x20, s29  }
0x39: {  	[tilespmem:v0+s0+$0x0 ss:$0x1] =	vst.idx.msk $0xffff, v1;
	s0 =	sadd.s32 s31, s28  }
0x3a: {  	v1 =	vld [tilespmem:s0+$0x0];
	_ =	sdelay $0x7  }
0x3b: {  	v1 =	vld.idx.msk [tilespmem:v1+s14+$0x0], $0xffff;
	_ =	sdelay $0x3  }
0x3c: {  	s29 =	sor.u32 $0x30, s29;
	s31 =	sor.u32 s31, s30  }
0x3d: {  	s28 =	sadd.s32 s29, s28;
	[tilespmem:v0+s31+$0x0 ss:$0x1] =	vst.idx.msk $0xffff, v1  }
0x3e: {  	v1 =	vld [tilespmem:s28+$0x0];
	_ =	sdelay $0x6  }
0x3f: {  	s24 =	sadd.s32 $0x4, s24  }
0x40: {  	p2 =	slt.u32 s24, $0x1FC;
	v1 =	vld.idx.msk [tilespmem:v1+s14+$0x0], $0xffff  }
.Ltmp2:
0x41: {  	_ = 	snop;
	(pc) =	sbr.rel @p2 .LBB2_4-.Ltmp2, $3  }
0x42: {  	_ =	sdelay $0x1  }
0x43: {  	s31 =	sor.u32 s29, s30  }
0x44: {  	s26 =	sadd.s32 $0x80, s26;
	s25 =	sadd.s32 $0x40, s25;
	[tilespmem:v0+s31+$0x0 ss:$0x1] =	vst.idx.msk $0xffff, v1  }
0x45: {  	s0 =	sshll.u32 s19, $0x10  }
0x46: {  	s0 =	sadd.s32 s20, s0  }
0x47: {  	s0 =	sshrl.u32 s0, $0x3  }
0x48: {  	s22 =	sadd.s32 $0x1, s22;
	s23 =	sadd.s32 s2, s0  }
0x49: {  	s24 =	simm.s32 $0x80;
	s25 =	sadd.s32 $0x100, s21;
	s26 =	sadd.s32 $0x0, s23  }
.LBB2_6:
0x4a: {  	[hbm4b:s26+s5] =	stream.linear.scatter [tilespmem:s21], [sflag:s22], $0x80, $0x38;
	[tilespmem:$0x1C000] =	vst v63  }
0x4b: {  	s0 =	smov.u32 s24;
	s21 =	smov.u32 s25;
	p2 =	sne.s32 s24, $0x1F80  }
.Ltmp3:
0x4c: {  	s24 =	sadd.s32 $0x80, s24;
	(pc) =	sbr.rel @p2 .LBB2_6-.Ltmp3, $2  }
0x4d: {  	_ =	sdelay $0x2  }
0x4e: {  	s25 =	sadd.s32 $0x100, s25;
	s26 =	sadd.s32 s0, s23  }
0x4f: {  	[hbm4b:s26+s5] =	stream.linear.scatter [tilespmem:s21], [sflag:s22], $0x80, $0x38;
	[tilespmem:$0x1C000] =	vst v63  }
0x50: {  	s21 =	sadd.s32 $0x1, s19  }
0x51: {  	p2 =	sne.s32 s21, $0x4  }
.Ltmp4:
0x52: {  	_ = 	snop;
	(pc) =	sbr.rel @p2 .LBB2_3-.Ltmp4, $2  }
0x53: {  	_ =	sdelay $0x2  }
0x54: {  	s16 =	sadd.s32 $0x1, s16;
	p1 =	por !p1, !p1  }
0x55: {  	s17 =	sadd.s32 $0x1, s17  }
0x56: {  	p1 =	sne.s32 s17, $0x10  }
.Ltmp5:
0x57: {  	_ = 	snop;
	(pc) =	sbr.rel @p1 .LBB2_2-.Ltmp5, $1  }
0x58: {  	_ =	sdelay $0x3  }
.Ltmp6:
0x59: {  	(pc) =	sbr.rel @p0 .LBB2_16-.Ltmp6, $1  }
0x5a: {  	_ =	sdelay $0x3  }
0x5b: {  	[tilespmem:s14], [sflag:$0x3] =	stream.strided.gather [hbm4b:s8+s11], $0x10000, s12, s11, $0x38;
	[tilespmem:$0x1C000] =	vst v63  }
0x5c: {  	s0 =	sxor.u32 s19, s18  }
0x5d: {  	_ =	swait.ge [sflag:s13], $0x10000;
	s0 =	sand.u32 $0x1, s0  }
0x5e: {  	[sflag:s13] =	ssyncset.done $0x0;
	p1 =	seq.s32 s0, $0x1  }
0x5f: {  	s17 =	simm.s32 $0x0;
	[sflag:s13] =	ssyncadd.s32 $0xFFFF0000;
	p1 =	por !p1, !p1  }
.LBB2_11:
0x60: {  	s0 =	simm.s32 $0x1  }
0x61: {  	s19 =	sand.u32 $0x1, s16;
	p2 =	slt.s32 s16, $0x2;
	s30 =	sshll.u32 s17, $0xD  }
0x62: {  	s21 =	simm.s32 $0xFFFFFFFC;
	s22 =	simm.s32 $0x0;
	s20 =	sadd.s32 @!p2 $0x1, s19  }
0x63: {  	s23 =	simm.s32 $0x0;
	s0 =	simm.s32 @!p1 $0x0;
	_ =	swait.ge @!p2 [sflag:s20], $0x2000  }
0x64: {  	s31 =	sshll.u32 s19, $0x7;
	s0 =	sshll.u32 s0, $0x7;
	[sflag:s20] =	ssyncset.done @!p2 $0x0  }
0x65: {  	v0 =	vmov s31;
	s18 =	sor.u32 $0x18000, s0;
	[sflag:s20] =	ssyncadd.s32 @!p2 $0xFFFFE000;
	s20 =	sand.u32 $0x3FFFE000, s30  }
.LBB2_12:
0x66: {  	s0 =	sand.u32 $0x1F80, s22  }
0x67: {  	s24 =	sand.u32 $0x40, s22;
	s0 =	sadd.s32 s0, s20  }
0x68: {  	s25 =	sadd.s32 s24, s0  }
0x69: {  	v1 =	vld [tilespmem:s25+$0x0];
	_ =	sdelay $0x7  }
0x6a: {  	v1 =	vld.idx.msk [tilespmem:v1+s14+$0x0], $0xffff;
	_ =	sdelay $0x1  }
0x6b: {  	s28 =	sand.u32 $0x3F00, s23  }
0x6c: {  	s25 =	sor.u32 $0x18000, s28  }
0x6d: {  	s28 =	sor.u32 $0x10, s24;
	s26 =	sor.u32 s24, s25  }
0x6e: {  	s29 =	sadd.s32 s28, s0;
	[tilespmem:v0+s26+$0x0 ss:$0x1] =	vst.idx.msk $0xffff, v1  }
0x6f: {  	v1 =	vld [tilespmem:s29+$0x0];
	_ =	sdelay $0x7  }
0x70: {  	v1 =	vld.idx.msk [tilespmem:v1+s14+$0x0], $0xffff;
	_ =	sdelay $0x3  }
0x71: {  	s31 =	sor.u32 $0x20, s24;
	s30 =	sor.u32 s28, s25  }
0x72: {  	s29 =	sadd.s32 s31, s0;
	[tilespmem:v0+s30+$0x0 ss:$0x1] =	vst.idx.msk $0xffff, v1  }
0x73: {  	v1 =	vld [tilespmem:s29+$0x0];
	_ =	sdelay $0x7  }
0x74: {  	v1 =	vld.idx.msk [tilespmem:v1+s14+$0x0], $0xffff;
	_ =	sdelay $0x3  }
0x75: {  	s24 =	sor.u32 $0x30, s24;
	s30 =	sor.u32 s31, s25  }
0x76: {  	s0 =	sadd.s32 s24, s0;
	[tilespmem:v0+s30+$0x0 ss:$0x1] =	vst.idx.msk $0xffff, v1  }
0x77: {  	v1 =	vld [tilespmem:s0+$0x0];
	_ =	sdelay $0x6  }
0x78: {  	s21 =	sadd.s32 $0x4, s21  }
0x79: {  	p2 =	slt.u32 s21, $0x1FC;
	v1 =	vld.idx.msk [tilespmem:v1+s14+$0x0], $0xffff  }
.Ltmp7:
0x7a: {  	_ = 	snop;
	(pc) =	sbr.rel @p2 .LBB2_12-.Ltmp7, $3  }
0x7b: {  	_ =	sdelay $0x1  }
0x7c: {  	s31 =	sor.u32 s24, s25  }
0x7d: {  	s23 =	sadd.s32 $0x80, s23;
	s22 =	sadd.s32 $0x40, s22;
	[tilespmem:v0+s31+$0x0 ss:$0x1] =	vst.idx.msk $0xffff, v1  }
0x7e: {  	s0 =	sshll.u32 s17, $0x10  }
0x7f: {  	s0 =	sadd.s32 s9, s0  }
0x80: {  	s0 =	sshrl.u32 s0, $0x3  }
0x81: {  	s19 =	sadd.s32 $0x1, s19;
	s20 =	sadd.s32 s3, s0  }
0x82: {  	s21 =	simm.s32 $0x80;
	s22 =	sadd.s32 $0x100, s18;
	s23 =	sadd.s32 $0x0, s20  }
.LBB2_14:
0x83: {  	[hbm4b:s23+s5] =	stream.linear.scatter [tilespmem:s18], [sflag:s19], $0x80, $0x38;
	[tilespmem:$0x1C000] =	vst v63  }
0x84: {  	s0 =	smov.u32 s21;
	s18 =	smov.u32 s22;
	p2 =	sne.s32 s21, $0x1F80  }
.Ltmp8:
0x85: {  	s21 =	sadd.s32 $0x80, s21;
	(pc) =	sbr.rel @p2 .LBB2_14-.Ltmp8, $2  }
0x86: {  	_ =	sdelay $0x2  }
0x87: {  	s22 =	sadd.s32 $0x100, s22;
	s23 =	sadd.s32 s0, s20  }
0x88: {  	s17 =	sadd.s32 $0x1, s17  }
0x89: {  	p2 =	sne.s32 s17, $0x4  }
.Ltmp9:
0x8a: {  	_ = 	snop;
	(pc) =	sbr.rel @p2 .LBB2_11-.Ltmp9, $4  }
.Ltmp10:
0x8b: {  	_ = 	snop;
	(pc) =	sbr.rel @!p2 .LBB2_16-.Ltmp10, $4  }
0x8c: {  	_ = 	snop  }
0x8d: {  	[hbm4b:s23+s5] =	stream.linear.scatter [tilespmem:s18], [sflag:s19], $0x80, $0x38;
	[tilespmem:$0x1C000] =	vst v63  }
0x8e: {  	s16 =	sadd.s32 $0x1, s16;
	p1 =	por !p1, !p1  }
0x8f: {  	_ = 	snop  }
.LBB2_17:
0x90: {  	_ =	sfence.sel $0x180000  }
0x91: {  	[bflag:$0x0] =	sbarrier.arrive $0xFFFF  }
0x92: {  	_ =	strace $0x90000047  }
0x93: {  	[bflag:$0x2] =	sbarrier.arrive $0xFFFF  }
0x94: {  	p0 =	sne.s32 s4, $0x0;
	s0 =	rddreg [dreg:$0x5]  }
0x95: {  	s0 =	sadd.s32 @!p0 $0x100000, s0  }
0x96: {  	[sflag:s0] =	ssyncadd.tile.s32 @!p0 $0x1;
	_ =	shalt  }
.Lfunc_end2:
_tile_overlayer_lowered:
.L_overlay_start_2:
0x97: {  	(tag) =	ssettag $0x2  }
0x98: {  	s0 =	rddreg [dreg:$0x0];
	s2 =	stileid.u32  }
0x99: {  	s1 =	rddreg [dreg:$0x1];
	p0 =	sne.s32 s2, $0x0  }
0x9a: {  	s3 =	rddreg [dreg:$0x2];
	[bflag:$0x3] =	sbarrier.arrive $0xFFFF;
	s2 =	simm.s32 @!p0 $0x1C03  }
0x9b: {  	[timem:s3], [sflag:s2] =	dma.local @!p0 [hbm:s0], s1  }
0x9c: {  	s0 =	simm.s32 @!p0 $0x3  }
0x9d: {  	_ =	swait.ge @!p0 [sflag:s0], s1  }
0x9e: {  	s1 =	ssub.s32 @!p0 $0x0, s1;
	[sflag:s0] =	ssyncset.done @!p0 $0x0  }
0x9f: {  	[sflag:s0] =	ssyncadd.s32 @!p0 s1  }
0xa0: {  	[bflag:$0x3] =	sbarrier.arrive $0xFFFF  }
0xa1: {  	_ =	shalt  }

</sc_bundles>
